<compile_context>
chip_gen: v7x
topology: tpu7x:2x2x1
jax: 0.10.2.dev20260603
libtpu: 0.0.44.dev20260713+nightly
codegen_flags: <defaults>
</compile_context>

<pallas_src>
import jax
import jax.numpy as jnp
from jax import lax
from jax.experimental import pallas as pl
from jax.experimental.pallas import tpu as pltpu
from jax.experimental.pallas import tpu_sc as plsc

_L = 200
_LPAD = 256
_D = 50
_B = 128
_OUT = 2


def _body(emb_hbm, w_hbm, b_hbm, out_hbm, emb_v, w_v, b_v, out_v, sem):
    @pl.when((lax.axis_index("c") == 0) & (lax.axis_index("s") == 0))
    def _():
        cp_e = pltpu.async_copy(emb_hbm.at[:, pl.ds(0, _LPAD)], emb_v, sem)
        cp_w = pltpu.async_copy(w_hbm, w_v, sem)
        cp_b = pltpu.async_copy(b_hbm, b_v, sem)
        cp_w.wait()
        cp_b.wait()
        cp_e.wait()

        lane = lax.iota(jnp.int32, 16)
        zero = jnp.zeros((16,), jnp.float32)

        head = lane < 8

        def _round_bf16(x):
            u = lax.bitcast_convert_type(x, jnp.uint32)
            u = (u + jnp.uint32(0x7FFF) + ((u >> 16) & jnp.uint32(1))) & jnp.uint32(
                0xFFFF0000
            )
            return lax.bitcast_convert_type(u, jnp.float32)

        fzero = jnp.float32(0.0)

        @plsc.parallel_loop(0, _D, carry=(fzero, fzero), unroll=2)
        def accs(c, carry):
            acc0, acc1 = carry
            vs = [emb_v[c, pl.ds(16 * j, 16)] for j in range(12)]
            vs.append(jnp.where(head, emb_v[c, pl.ds(192, 16)], 0.0))
            while len(vs) > 1:
                vs = [
                    vs[i] + vs[i + 1] if i + 1 < len(vs) else vs[i]
                    for i in range(0, len(vs), 2)
                ]
            cc = jnp.broadcast_to(c, (16,))
            w0 = plsc.load_gather(w_v, [jnp.broadcast_to(0, (16,)), cc])
            w1 = plsc.load_gather(w_v, [jnp.broadcast_to(1, (16,)), cc])
            res = _round_bf16(jnp.sum(vs[0]) * (1.0 / _B))
            w0s = _round_bf16(jnp.sum(w0) * (1.0 / 16.0))
            w1s = _round_bf16(jnp.sum(w1) * (1.0 / 16.0))
            return (acc0 + res * w0s, acc1 + res * w1s)

        acc0, acc1 = accs
        par = lane & 1
        bfull = plsc.load_gather(b_v, [par])
        ys = []
        for k, s in enumerate((acc0, acc1)):
            bk = jnp.sum(jnp.where(par == k, bfull, 0.0)) * (1.0 / 8.0)
            ys.append(jnp.maximum(s + bk, 0.0))

        for k in range(_OUT):
            yvec = jnp.full((16,), ys[k], jnp.float32)
            for j in range(_B // 16):
                out_v[k, pl.ds(16 * j, 16)] = yvec
        pltpu.sync_copy(out_v, out_hbm)


@jax.jit
def _run(emb_t, w, b):
    mesh = plsc.VectorSubcoreMesh(
        core_axis_name="c", subcore_axis_name="s", num_cores=1
    )
    return pl.kernel(
        _body,
        mesh=mesh,
        compiler_params=pltpu.CompilerParams(
            needs_layout_passes=False, skip_device_barrier=True
        ),
        out_type=jax.ShapeDtypeStruct((_OUT, _B), jnp.float32),
        scratch_types=[
            pltpu.VMEM((_D, _LPAD), jnp.float32),
            pltpu.VMEM((_OUT, _D), jnp.float32),
            pltpu.VMEM((_OUT,), jnp.float32),
            pltpu.VMEM((_OUT, _B), jnp.float32),
            pltpu.SemaphoreType.DMA,
        ],
    )(emb_t, w, b)


def kernel(t, embeddings, W, b):
    del t
    return _run(embeddings.T, W, b).T

# --- scband reference (transcript-rebuilt; emitter-appended) ---
"""Pipeline reference for scband-base-net-embedding-22411139351168 (READ-ONLY COPY).

The authoritative reference and input builder live on the scoring server;
editing this copy changes nothing except your own understanding.
"""

import jax, jax.numpy as jnp
import numpy as np

BATCH_SIZE = 128
EMBEDDING_SIZE = 50
OUTPUT_SIZE = 2
VOCAB = 100000
HIST_LEN = 200


def setup_inputs(seed: int = 0) -> dict:
    key = jax.random.key(seed)
    k1, k2, k3, k4 = jax.random.split(key, 4)
    t = jax.random.randint(k1, (BATCH_SIZE, HIST_LEN), 0, VOCAB, dtype=jnp.int32)
    embeddings = jax.random.normal(k2, (VOCAB, EMBEDDING_SIZE), dtype=jnp.float32)
    # xavier_uniform for linear weight [OUT, IN]
    limit = float(np.sqrt(6.0 / (EMBEDDING_SIZE + OUTPUT_SIZE)))
    W = jax.random.uniform(k3, (OUTPUT_SIZE, EMBEDDING_SIZE), dtype=jnp.float32, minval=-limit, maxval=limit)
    bound = float(1.0 / np.sqrt(EMBEDDING_SIZE))
    b = jax.random.uniform(k4, (OUTPUT_SIZE,), dtype=jnp.float32, minval=-bound, maxval=bound)
    return {"t": t, "embeddings": embeddings, "W": W, "b": b}


def reference(t, embeddings, W, b):
    # Faithful translation of the original forward:
    #   for each batch row, tmp[batch] = sum over wi in range(t.shape[1]) of embeddings[wi]
    #   (note: the original indexes embeddings by the loop counter wi, NOT by t[batch, wi];
    #    the `if wi == -1: continue` branch is dead since wi ranges over 0..L-1)
    #   then each row is divided by len(t) == t.shape[0]
    B = t.shape[0]
    L = t.shape[1]
    row = jnp.take(embeddings, jnp.arange(L), axis=0).sum(axis=0)  # [EMBEDDING_SIZE]
    res = jnp.broadcast_to(row / B, (B, row.shape[0])).astype(jnp.float32)
    out = res @ W.T + b
    return jax.nn.relu(out)

if __name__ == "__main__":
    import jax
    _d = setup_inputs()
    print(jax.jit(kernel)(*tuple(_d.values())))

</pallas_src>

<mosaic_0001>
#map = affine_map<(d0, d1) -> (0, 0)>
#map1 = affine_map<(d0, d1) -> (0)>
module attributes {stable_mosaic.version = 14 : i64} {
  func.func @_body(%arg0: i32, %arg1: i32, %arg2: memref<50x100000xf32, #tpu.memory_space<hbm>>, %arg3: memref<2x50xf32, #tpu.memory_space<hbm>>, %arg4: memref<2xf32, #tpu.memory_space<hbm>>, %arg5: memref<2x128xf32, #tpu.memory_space<hbm>>, %arg6: memref<50x256xf32, #tpu.memory_space<vmem>>, %arg7: memref<2x50xf32, #tpu.memory_space<vmem>>, %arg8: memref<2xf32, #tpu.memory_space<vmem>>, %arg9: memref<2x128xf32, #tpu.memory_space<vmem>>, %arg10: memref<!tpu.dma_semaphore, #tpu.memory_space<semaphore_mem>>) attributes {dimension_semantics = [#tpu.dimension_semantics<core_parallel>, #tpu.dimension_semantics<subcore_parallel>], iteration_bounds = array<i64: 1, 16>, scalar_prefetch = 0 : i64, scratch_operands = 5 : i64, tpu.core_type = #tpu.core_type<sc_vector_subcore>, window_params = [{transform_indices = #map}, {transform_indices = #map}, {transform_indices = #map1}, {transform_indices = #map}]} {
    %eq3A = arith.constant 0 : i32
    %eq3A_0 = arith.cmpi eq, %arg0, %eq3A : i32
    %eq3A_1 = arith.constant 0 : i32
    %eq3A_2 = arith.cmpi eq, %arg1, %eq3A_1 : i32
    %and3A = arith.andi %eq3A_0, %eq3A_2 : i1
    %convert_element_type3A = arith.extui %and3A : i1 to i32
    %cond3A = arith.constant 0 : i32
    %cond3A_3 = arith.cmpi ne, %convert_element_type3A, %cond3A : i32
    scf.if %cond3A_3 {
      %dma_start3A = arith.constant 0 : i32
      %dma_start3A_4 = arith.constant 0 : i32
      %dma_start3A_5 = tpu.memref_slice %arg2[%dma_start3A, %dma_start3A_4] : memref<50x100000xf32, #tpu.memory_space<hbm>> -> memref<50x256xf32, #tpu.memory_space<hbm>>
      %dma_start3A_6 = arith.constant 0 : i32
      %dma_start3A_7 = arith.constant 0 : i32
      %dma_start3A_8 = tpu.memref_slice %arg2[%dma_start3A_6, %dma_start3A_7] : memref<50x100000xf32, #tpu.memory_space<hbm>> -> memref<50x256xf32, #tpu.memory_space<hbm>>
      tpu.enqueue_dma source(%dma_start3A_8 : memref<50x256xf32, #tpu.memory_space<hbm>>) target(%arg6 : memref<50x256xf32, #tpu.memory_space<vmem>>) target_semaphore(%arg10 : memref<!tpu.dma_semaphore, #tpu.memory_space<semaphore_mem>>)
      tpu.enqueue_dma source(%arg3 : memref<2x50xf32, #tpu.memory_space<hbm>>) target(%arg7 : memref<2x50xf32, #tpu.memory_space<vmem>>) target_semaphore(%arg10 : memref<!tpu.dma_semaphore, #tpu.memory_space<semaphore_mem>>)
      tpu.enqueue_dma source(%arg4 : memref<2xf32, #tpu.memory_space<hbm>>) target(%arg8 : memref<2xf32, #tpu.memory_space<vmem>>) target_semaphore(%arg10 : memref<!tpu.dma_semaphore, #tpu.memory_space<semaphore_mem>>)
      tpu.wait_dma2 semaphore(%arg10 : memref<!tpu.dma_semaphore, #tpu.memory_space<semaphore_mem>>) src(%arg3 : memref<2x50xf32, #tpu.memory_space<hbm>>) dst(%arg7 : memref<2x50xf32, #tpu.memory_space<vmem>>)
      tpu.wait_dma2 semaphore(%arg10 : memref<!tpu.dma_semaphore, #tpu.memory_space<semaphore_mem>>) src(%arg4 : memref<2xf32, #tpu.memory_space<hbm>>) dst(%arg8 : memref<2xf32, #tpu.memory_space<vmem>>)
      %dma_wait3A = arith.constant 0 : i32
      %dma_wait3A_9 = arith.constant 0 : i32
      %dma_wait3A_10 = tpu.memref_slice %arg2[%dma_wait3A, %dma_wait3A_9] : memref<50x100000xf32, #tpu.memory_space<hbm>> -> memref<50x256xf32, #tpu.memory_space<hbm>>
      %dma_wait3A_11 = arith.constant 0 : i32
      %dma_wait3A_12 = arith.constant 0 : i32
      %dma_wait3A_13 = tpu.memref_slice %arg2[%dma_wait3A_11, %dma_wait3A_12] : memref<50x100000xf32, #tpu.memory_space<hbm>> -> memref<50x256xf32, #tpu.memory_space<hbm>>
      tpu.wait_dma2 semaphore(%arg10 : memref<!tpu.dma_semaphore, #tpu.memory_space<semaphore_mem>>) src(%dma_wait3A_13 : memref<50x256xf32, #tpu.memory_space<hbm>>) dst(%arg6 : memref<50x256xf32, #tpu.memory_space<vmem>>)
      %iota3A = tpu.iota {dimensions = array<i32: 0>} : vector<16xi32>
      %broadcast_in_dim3A = arith.constant 0.000000e+00 : f32
      %broadcast_in_dim3A_14 = vector.broadcast %broadcast_in_dim3A : f32 to vector<16xf32>
      %lt3A = arith.constant 8 : i32
      %lt3A_15 = vector.broadcast %lt3A : i32 to vector<16xi32>
      %lt3A_16 = arith.cmpi slt, %iota3A, %lt3A_15 : vector<16xi32>
      %parallel_loop3A = arith.constant 0 : i32
      %parallel_loop3A_17 = arith.constant 50 : i32
      %parallel_loop3A_18 = arith.constant 1 : i32
      %parallel_loop3A_19 = arith.constant 0.000000e+00 : f32
      %parallel_loop3A_20 = arith.constant 0.000000e+00 : f32
      %parallel_loop3A_21:2 = scf.for %parallel_loop3A_114 = %parallel_loop3A to %parallel_loop3A_17 step %parallel_loop3A_18 iter_args(%parallel_loop3A_115 = %parallel_loop3A_19, %parallel_loop3A_116 = %parallel_loop3A_20) -> (f32, f32)  : i32 {
        %parallel_loop3A_117 = arith.index_cast %parallel_loop3A_114 : i32 to index
        %parallel_loop3A_118 = arith.constant 0 : index
        %parallel_loop3A_119 = tpu.vector_load %arg6[%parallel_loop3A_117, %parallel_loop3A_118] {strides = array<i32>} : memref<50x256xf32, #tpu.memory_space<vmem>>, vector<16xf32>,
        %parallel_loop3A_120 = arith.index_cast %parallel_loop3A_114 : i32 to index
        %parallel_loop3A_121 = arith.constant 16 : index
        %parallel_loop3A_122 = tpu.vector_load %arg6[%parallel_loop3A_120, %parallel_loop3A_121] {strides = array<i32>} : memref<50x256xf32, #tpu.memory_space<vmem>>, vector<16xf32>,
        %parallel_loop3A_123 = arith.index_cast %parallel_loop3A_114 : i32 to index
        %parallel_loop3A_124 = arith.constant 32 : index
        %parallel_loop3A_125 = tpu.vector_load %arg6[%parallel_loop3A_123, %parallel_loop3A_124] {strides = array<i32>} : memref<50x256xf32, #tpu.memory_space<vmem>>, vector<16xf32>,
        %parallel_loop3A_126 = arith.index_cast %parallel_loop3A_114 : i32 to index
        %parallel_loop3A_127 = arith.constant 48 : index
        %parallel_loop3A_128 = tpu.vector_load %arg6[%parallel_loop3A_126, %parallel_loop3A_127] {strides = array<i32>} : memref<50x256xf32, #tpu.memory_space<vmem>>, vector<16xf32>,
        %parallel_loop3A_129 = arith.index_cast %parallel_loop3A_114 : i32 to index
        %parallel_loop3A_130 = arith.constant 64 : index
        %parallel_loop3A_131 = tpu.vector_load %arg6[%parallel_loop3A_129, %parallel_loop3A_130] {strides = array<i32>} : memref<50x256xf32, #tpu.memory_space<vmem>>, vector<16xf32>,
        %parallel_loop3A_132 = arith.index_cast %parallel_loop3A_114 : i32 to index
        %parallel_loop3A_133 = arith.constant 80 : index
        %parallel_loop3A_134 = tpu.vector_load %arg6[%parallel_loop3A_132, %parallel_loop3A_133] {strides = array<i32>} : memref<50x256xf32, #tpu.memory_space<vmem>>, vector<16xf32>,
        %parallel_loop3A_135 = arith.index_cast %parallel_loop3A_114 : i32 to index
        %parallel_loop3A_136 = arith.constant 96 : index
        %parallel_loop3A_137 = tpu.vector_load %arg6[%parallel_loop3A_135, %parallel_loop3A_136] {strides = array<i32>} : memref<50x256xf32, #tpu.memory_space<vmem>>, vector<16xf32>,
        %parallel_loop3A_138 = arith.index_cast %parallel_loop3A_114 : i32 to index
        %parallel_loop3A_139 = arith.constant 112 : index
        %parallel_loop3A_140 = tpu.vector_load %arg6[%parallel_loop3A_138, %parallel_loop3A_139] {strides = array<i32>} : memref<50x256xf32, #tpu.memory_space<vmem>>, vector<16xf32>,
        %parallel_loop3A_141 = arith.index_cast %parallel_loop3A_114 : i32 to index
        %parallel_loop3A_142 = arith.constant 128 : index
        %parallel_loop3A_143 = tpu.vector_load %arg6[%parallel_loop3A_141, %parallel_loop3A_142] {strides = array<i32>} : memref<50x256xf32, #tpu.memory_space<vmem>>, vector<16xf32>,
        %parallel_loop3A_144 = arith.index_cast %parallel_loop3A_114 : i32 to index
        %parallel_loop3A_145 = arith.constant 144 : index
        %parallel_loop3A_146 = tpu.vector_load %arg6[%parallel_loop3A_144, %parallel_loop3A_145] {strides = array<i32>} : memref<50x256xf32, #tpu.memory_space<vmem>>, vector<16xf32>,
        %parallel_loop3A_147 = arith.index_cast %parallel_loop3A_114 : i32 to index
        %parallel_loop3A_148 = arith.constant 160 : index
        %parallel_loop3A_149 = tpu.vector_load %arg6[%parallel_loop3A_147, %parallel_loop3A_148] {strides = array<i32>} : memref<50x256xf32, #tpu.memory_space<vmem>>, vector<16xf32>,
        %parallel_loop3A_150 = arith.index_cast %parallel_loop3A_114 : i32 to index
        %parallel_loop3A_151 = arith.constant 176 : index
        %parallel_loop3A_152 = tpu.vector_load %arg6[%parallel_loop3A_150, %parallel_loop3A_151] {strides = array<i32>} : memref<50x256xf32, #tpu.memory_space<vmem>>, vector<16xf32>,
        %parallel_loop3A_153 = arith.index_cast %parallel_loop3A_114 : i32 to index
        %parallel_loop3A_154 = arith.constant 192 : index
        %parallel_loop3A_155 = tpu.vector_load %arg6[%parallel_loop3A_153, %parallel_loop3A_154] {strides = array<i32>} : memref<50x256xf32, #tpu.memory_space<vmem>>, vector<16xf32>,
        %parallel_loop3A_156 = arith.constant 0.000000e+00 : f32
        %parallel_loop3A_157 = vector.broadcast %parallel_loop3A_156 : f32 to vector<16xf32>
        %parallel_loop3A_158 = arith.select %lt3A_16, %parallel_loop3A_155, %parallel_loop3A_157 : vector<16xi1>, vector<16xf32>
        %parallel_loop3A_159 = arith.addf %parallel_loop3A_119, %parallel_loop3A_122 : vector<16xf32>
        %parallel_loop3A_160 = arith.addf %parallel_loop3A_125, %parallel_loop3A_128 : vector<16xf32>
        %parallel_loop3A_161 = arith.addf %parallel_loop3A_131, %parallel_loop3A_134 : vector<16xf32>
        %parallel_loop3A_162 = arith.addf %parallel_loop3A_137, %parallel_loop3A_140 : vector<16xf32>
        %parallel_loop3A_163 = arith.addf %parallel_loop3A_143, %parallel_loop3A_146 : vector<16xf32>
        %parallel_loop3A_164 = arith.addf %parallel_loop3A_149, %parallel_loop3A_152 : vector<16xf32>
        %parallel_loop3A_165 = arith.addf %parallel_loop3A_159, %parallel_loop3A_160 : vector<16xf32>
        %parallel_loop3A_166 = arith.addf %parallel_loop3A_161, %parallel_loop3A_162 : vector<16xf32>
        %parallel_loop3A_167 = arith.addf %parallel_loop3A_163, %parallel_loop3A_164 : vector<16xf32>
        %parallel_loop3A_168 = arith.addf %parallel_loop3A_165, %parallel_loop3A_166 : vector<16xf32>
        %parallel_loop3A_169 = arith.addf %parallel_loop3A_167, %parallel_loop3A_158 : vector<16xf32>
        %parallel_loop3A_170 = arith.addf %parallel_loop3A_168, %parallel_loop3A_169 : vector<16xf32>
        %parallel_loop3A_171 = vector.broadcast %parallel_loop3A_114 : i32 to vector<16xi32>
        %parallel_loop3A_172 = arith.constant 0 : i32
        %parallel_loop3A_173 = vector.broadcast %parallel_loop3A_172 : i32 to vector<16xi32>
        %parallel_loop3A_174 = tpu.vector_load_idx %arg7[%parallel_loop3A_173, %parallel_loop3A_171] : memref<2x50xf32, #tpu.memory_space<vmem>>[vector<16xi32>, vector<16xi32>], vector<16xf32>,
        %parallel_loop3A_175 = arith.constant 1 : i32
        %parallel_loop3A_176 = vector.broadcast %parallel_loop3A_175 : i32 to vector<16xi32>
        %parallel_loop3A_177 = tpu.vector_load_idx %arg7[%parallel_loop3A_176, %parallel_loop3A_171] : memref<2x50xf32, #tpu.memory_space<vmem>>[vector<16xi32>, vector<16xi32>], vector<16xf32>,
        %parallel_loop3A_178 = arith.constant true
        %parallel_loop3A_179 = vector.broadcast %parallel_loop3A_178 : i1 to vector<16xi1>
        %parallel_loop3A_180 = tpu.scan <sum>, %parallel_loop3A_170 masked %parallel_loop3A_179 : vector<16xf32>, vector<16xi1> -> vector<16xf32>
        %parallel_loop3A_181 = vector.extract %parallel_loop3A_180[15] : f32 from vector<16xf32>
        %parallel_loop3A_182 = arith.constant 7.812500e-03 : f32
        %parallel_loop3A_183 = arith.mulf %parallel_loop3A_181, %parallel_loop3A_182 : f32
        %parallel_loop3A_184 = arith.bitcast %parallel_loop3A_183 : f32 to i32
        %parallel_loop3A_185 = arith.constant 32767 : i32
        %parallel_loop3A_186 = arith.addi %parallel_loop3A_184, %parallel_loop3A_185 : i32
        %parallel_loop3A_187 = arith.constant 16 : i32
        %parallel_loop3A_188 = arith.shrui %parallel_loop3A_184, %parallel_loop3A_187 : i32
        %parallel_loop3A_189 = arith.constant 1 : i32
        %parallel_loop3A_190 = arith.andi %parallel_loop3A_188, %parallel_loop3A_189 : i32
        %parallel_loop3A_191 = arith.addi %parallel_loop3A_186, %parallel_loop3A_190 : i32
        %parallel_loop3A_192 = arith.constant -65536 : i32
        %parallel_loop3A_193 = arith.andi %parallel_loop3A_191, %parallel_loop3A_192 : i32
        %parallel_loop3A_194 = arith.bitcast %parallel_loop3A_193 : i32 to f32
        %parallel_loop3A_195 = arith.constant true
        %parallel_loop3A_196 = vector.broadcast %parallel_loop3A_195 : i1 to vector<16xi1>
        %parallel_loop3A_197 = tpu.scan <sum>, %parallel_loop3A_174 masked %parallel_loop3A_196 : vector<16xf32>, vector<16xi1> -> vector<16xf32>
        %parallel_loop3A_198 = vector.extract %parallel_loop3A_197[15] : f32 from vector<16xf32>
        %parallel_loop3A_199 = arith.constant 6.250000e-02 : f32
        %parallel_loop3A_200 = arith.mulf %parallel_loop3A_198, %parallel_loop3A_199 : f32
        %parallel_loop3A_201 = arith.bitcast %parallel_loop3A_200 : f32 to i32
        %parallel_loop3A_202 = arith.constant 32767 : i32
        %parallel_loop3A_203 = arith.addi %parallel_loop3A_201, %parallel_loop3A_202 : i32
        %parallel_loop3A_204 = arith.constant 16 : i32
        %parallel_loop3A_205 = arith.shrui %parallel_loop3A_201, %parallel_loop3A_204 : i32
        %parallel_loop3A_206 = arith.constant 1 : i32
        %parallel_loop3A_207 = arith.andi %parallel_loop3A_205, %parallel_loop3A_206 : i32
        %parallel_loop3A_208 = arith.addi %parallel_loop3A_203, %parallel_loop3A_207 : i32
        %parallel_loop3A_209 = arith.constant -65536 : i32
        %parallel_loop3A_210 = arith.andi %parallel_loop3A_208, %parallel_loop3A_209 : i32
        %parallel_loop3A_211 = arith.bitcast %parallel_loop3A_210 : i32 to f32
        %parallel_loop3A_212 = arith.constant true
        %parallel_loop3A_213 = vector.broadcast %parallel_loop3A_212 : i1 to vector<16xi1>
        %parallel_loop3A_214 = tpu.scan <sum>, %parallel_loop3A_177 masked %parallel_loop3A_213 : vector<16xf32>, vector<16xi1> -> vector<16xf32>
        %parallel_loop3A_215 = vector.extract %parallel_loop3A_214[15] : f32 from vector<16xf32>
        %parallel_loop3A_216 = arith.constant 6.250000e-02 : f32
        %parallel_loop3A_217 = arith.mulf %parallel_loop3A_215, %parallel_loop3A_216 : f32
        %parallel_loop3A_218 = arith.bitcast %parallel_loop3A_217 : f32 to i32
        %parallel_loop3A_219 = arith.constant 32767 : i32
        %parallel_loop3A_220 = arith.addi %parallel_loop3A_218, %parallel_loop3A_219 : i32
        %parallel_loop3A_221 = arith.constant 16 : i32
        %parallel_loop3A_222 = arith.shrui %parallel_loop3A_218, %parallel_loop3A_221 : i32
        %parallel_loop3A_223 = arith.constant 1 : i32
        %parallel_loop3A_224 = arith.andi %parallel_loop3A_222, %parallel_loop3A_223 : i32
        %parallel_loop3A_225 = arith.addi %parallel_loop3A_220, %parallel_loop3A_224 : i32
        %parallel_loop3A_226 = arith.constant -65536 : i32
        %parallel_loop3A_227 = arith.andi %parallel_loop3A_225, %parallel_loop3A_226 : i32
        %parallel_loop3A_228 = arith.bitcast %parallel_loop3A_227 : i32 to f32
        %parallel_loop3A_229 = arith.mulf %parallel_loop3A_194, %parallel_loop3A_211 : f32
        %parallel_loop3A_230 = arith.addf %parallel_loop3A_115, %parallel_loop3A_229 : f32
        %parallel_loop3A_231 = arith.mulf %parallel_loop3A_194, %parallel_loop3A_228 : f32
        %parallel_loop3A_232 = arith.addf %parallel_loop3A_116, %parallel_loop3A_231 : f32
        scf.yield %parallel_loop3A_230, %parallel_loop3A_232 : f32, f32
      } {sc.loop_unroll_factor = 2 : i64, sc.parallel_access}
      %and3A_22 = arith.constant 1 : i32
      %and3A_23 = vector.broadcast %and3A_22 : i32 to vector<16xi32>
      %and3A_24 = arith.andi %iota3A, %and3A_23 : vector<16xi32>
      %gather3A = tpu.vector_load_idx %arg8[%and3A_24] : memref<2xf32, #tpu.memory_space<vmem>>[vector<16xi32>], vector<16xf32>,
      %eq3A_25 = arith.constant 0 : i32
      %eq3A_26 = vector.broadcast %eq3A_25 : i32 to vector<16xi32>
      %eq3A_27 = arith.cmpi eq, %and3A_24, %eq3A_26 : vector<16xi32>
      %jit3A = arith.constant 0.000000e+00 : f32
      %broadcast_in_dim3A_28 = vector.broadcast %jit3A : f32 to vector<16xf32>
      %select_n3A = arith.select %eq3A_27, %gather3A, %broadcast_in_dim3A_28 : vector<16xi1>, vector<16xf32>
      %reduce_sum3A = arith.constant true
      %reduce_sum3A_29 = vector.broadcast %reduce_sum3A : i1 to vector<16xi1>
      %reduce_sum3A_30 = tpu.scan <sum>, %select_n3A masked %reduce_sum3A_29 : vector<16xf32>, vector<16xi1> -> vector<16xf32>
      %reduce_sum3A_31 = vector.extract %reduce_sum3A_30[15] : f32 from vector<16xf32>
      %mul3A = arith.constant 1.250000e-01 : f32
      %mul3A_32 = arith.mulf %reduce_sum3A_31, %mul3A : f32
      %add3A = arith.addf %parallel_loop3A_21#0, %mul3A_32 : f32
      %max3A = arith.constant 0.000000e+00 : f32
      %max3A_33 = arith.maximumf %add3A, %max3A : f32
      %eq3A_34 = arith.constant 1 : i32
      %eq3A_35 = vector.broadcast %eq3A_34 : i32 to vector<16xi32>
      %eq3A_36 = arith.cmpi eq, %and3A_24, %eq3A_35 : vector<16xi32>
      %jit3A_37 = arith.constant 0.000000e+00 : f32
      %broadcast_in_dim3A_38 = vector.broadcast %jit3A_37 : f32 to vector<16xf32>
      %select_n3A_39 = arith.select %eq3A_36, %gather3A, %broadcast_in_dim3A_38 : vector<16xi1>, vector<16xf32>
      %reduce_sum3A_40 = arith.constant true
      %reduce_sum3A_41 = vector.broadcast %reduce_sum3A_40 : i1 to vector<16xi1>
      %reduce_sum3A_42 = tpu.scan <sum>, %select_n3A_39 masked %reduce_sum3A_41 : vector<16xf32>, vector<16xi1> -> vector<16xf32>
      %reduce_sum3A_43 = vector.extract %reduce_sum3A_42[15] : f32 from vector<16xf32>
      %mul3A_44 = arith.constant 1.250000e-01 : f32
      %mul3A_45 = arith.mulf %reduce_sum3A_43, %mul3A_44 : f32
      %add3A_46 = arith.addf %parallel_loop3A_21#1, %mul3A_45 : f32
      %max3A_47 = arith.constant 0.000000e+00 : f32
      %max3A_48 = arith.maximumf %add3A_46, %max3A_47 : f32
      %broadcast_in_dim3A_49 = vector.broadcast %max3A_33 : f32 to vector<16xf32>
      %swap3A = arith.constant 0 : i32
      %swap3A_50 = arith.index_cast %swap3A : i32 to index
      %swap3A_51 = arith.constant 0 : index
      %swap3A_52 = tpu.vector_load %arg9[%swap3A_50, %swap3A_51] {strides = array<i32>} : memref<2x128xf32, #tpu.memory_space<vmem>>, vector<16xf32>,
      tpu.vector_store %arg9[%swap3A_50, %swap3A_51], %broadcast_in_dim3A_49 {strides = array<i32>} : memref<2x128xf32, #tpu.memory_space<vmem>>, vector<16xf32>,
      %swap3A_53 = arith.constant 0 : i32
      %swap3A_54 = arith.index_cast %swap3A_53 : i32 to index
      %swap3A_55 = arith.constant 16 : index
      %swap3A_56 = tpu.vector_load %arg9[%swap3A_54, %swap3A_55] {strides = array<i32>} : memref<2x128xf32, #tpu.memory_space<vmem>>, vector<16xf32>,
      tpu.vector_store %arg9[%swap3A_54, %swap3A_55], %broadcast_in_dim3A_49 {strides = array<i32>} : memref<2x128xf32, #tpu.memory_space<vmem>>, vector<16xf32>,
      %swap3A_57 = arith.constant 0 : i32
      %swap3A_58 = arith.index_cast %swap3A_57 : i32 to index
      %swap3A_59 = arith.constant 32 : index
      %swap3A_60 = tpu.vector_load %arg9[%swap3A_58, %swap3A_59] {strides = array<i32>} : memref<2x128xf32, #tpu.memory_space<vmem>>, vector<16xf32>,
      tpu.vector_store %arg9[%swap3A_58, %swap3A_59], %broadcast_in_dim3A_49 {strides = array<i32>} : memref<2x128xf32, #tpu.memory_space<vmem>>, vector<16xf32>,
      %swap3A_61 = arith.constant 0 : i32
      %swap3A_62 = arith.index_cast %swap3A_61 : i32 to index
      %swap3A_63 = arith.constant 48 : index
      %swap3A_64 = tpu.vector_load %arg9[%swap3A_62, %swap3A_63] {strides = array<i32>} : memref<2x128xf32, #tpu.memory_space<vmem>>, vector<16xf32>,
      tpu.vector_store %arg9[%swap3A_62, %swap3A_63], %broadcast_in_dim3A_49 {strides = array<i32>} : memref<2x128xf32, #tpu.memory_space<vmem>>, vector<16xf32>,
      %swap3A_65 = arith.constant 0 : i32
      %swap3A_66 = arith.index_cast %swap3A_65 : i32 to index
      %swap3A_67 = arith.constant 64 : index
      %swap3A_68 = tpu.vector_load %arg9[%swap3A_66, %swap3A_67] {strides = array<i32>} : memref<2x128xf32, #tpu.memory_space<vmem>>, vector<16xf32>,
      tpu.vector_store %arg9[%swap3A_66, %swap3A_67], %broadcast_in_dim3A_49 {strides = array<i32>} : memref<2x128xf32, #tpu.memory_space<vmem>>, vector<16xf32>,
      %swap3A_69 = arith.constant 0 : i32
      %swap3A_70 = arith.index_cast %swap3A_69 : i32 to index
      %swap3A_71 = arith.constant 80 : index
      %swap3A_72 = tpu.vector_load %arg9[%swap3A_70, %swap3A_71] {strides = array<i32>} : memref<2x128xf32, #tpu.memory_space<vmem>>, vector<16xf32>,
      tpu.vector_store %arg9[%swap3A_70, %swap3A_71], %broadcast_in_dim3A_49 {strides = array<i32>} : memref<2x128xf32, #tpu.memory_space<vmem>>, vector<16xf32>,
      %swap3A_73 = arith.constant 0 : i32
      %swap3A_74 = arith.index_cast %swap3A_73 : i32 to index
      %swap3A_75 = arith.constant 96 : index
      %swap3A_76 = tpu.vector_load %arg9[%swap3A_74, %swap3A_75] {strides = array<i32>} : memref<2x128xf32, #tpu.memory_space<vmem>>, vector<16xf32>,
      tpu.vector_store %arg9[%swap3A_74, %swap3A_75], %broadcast_in_dim3A_49 {strides = array<i32>} : memref<2x128xf32, #tpu.memory_space<vmem>>, vector<16xf32>,
      %swap3A_77 = arith.constant 0 : i32
      %swap3A_78 = arith.index_cast %swap3A_77 : i32 to index
      %swap3A_79 = arith.constant 112 : index
      %swap3A_80 = tpu.vector_load %arg9[%swap3A_78, %swap3A_79] {strides = array<i32>} : memref<2x128xf32, #tpu.memory_space<vmem>>, vector<16xf32>,
      tpu.vector_store %arg9[%swap3A_78, %swap3A_79], %broadcast_in_dim3A_49 {strides = array<i32>} : memref<2x128xf32, #tpu.memory_space<vmem>>, vector<16xf32>,
      %broadcast_in_dim3A_81 = vector.broadcast %max3A_48 : f32 to vector<16xf32>
      %swap3A_82 = arith.constant 1 : i32
      %swap3A_83 = arith.index_cast %swap3A_82 : i32 to index
      %swap3A_84 = arith.constant 0 : index
      %swap3A_85 = tpu.vector_load %arg9[%swap3A_83, %swap3A_84] {strides = array<i32>} : memref<2x128xf32, #tpu.memory_space<vmem>>, vector<16xf32>,
      tpu.vector_store %arg9[%swap3A_83, %swap3A_84], %broadcast_in_dim3A_81 {strides = array<i32>} : memref<2x128xf32, #tpu.memory_space<vmem>>, vector<16xf32>,
      %swap3A_86 = arith.constant 1 : i32
      %swap3A_87 = arith.index_cast %swap3A_86 : i32 to index
      %swap3A_88 = arith.constant 16 : index
      %swap3A_89 = tpu.vector_load %arg9[%swap3A_87, %swap3A_88] {strides = array<i32>} : memref<2x128xf32, #tpu.memory_space<vmem>>, vector<16xf32>,
      tpu.vector_store %arg9[%swap3A_87, %swap3A_88], %broadcast_in_dim3A_81 {strides = array<i32>} : memref<2x128xf32, #tpu.memory_space<vmem>>, vector<16xf32>,
      %swap3A_90 = arith.constant 1 : i32
      %swap3A_91 = arith.index_cast %swap3A_90 : i32 to index
      %swap3A_92 = arith.constant 32 : index
      %swap3A_93 = tpu.vector_load %arg9[%swap3A_91, %swap3A_92] {strides = array<i32>} : memref<2x128xf32, #tpu.memory_space<vmem>>, vector<16xf32>,
      tpu.vector_store %arg9[%swap3A_91, %swap3A_92], %broadcast_in_dim3A_81 {strides = array<i32>} : memref<2x128xf32, #tpu.memory_space<vmem>>, vector<16xf32>,
      %swap3A_94 = arith.constant 1 : i32
      %swap3A_95 = arith.index_cast %swap3A_94 : i32 to index
      %swap3A_96 = arith.constant 48 : index
      %swap3A_97 = tpu.vector_load %arg9[%swap3A_95, %swap3A_96] {strides = array<i32>} : memref<2x128xf32, #tpu.memory_space<vmem>>, vector<16xf32>,
      tpu.vector_store %arg9[%swap3A_95, %swap3A_96], %broadcast_in_dim3A_81 {strides = array<i32>} : memref<2x128xf32, #tpu.memory_space<vmem>>, vector<16xf32>,
      %swap3A_98 = arith.constant 1 : i32
      %swap3A_99 = arith.index_cast %swap3A_98 : i32 to index
      %swap3A_100 = arith.constant 64 : index
      %swap3A_101 = tpu.vector_load %arg9[%swap3A_99, %swap3A_100] {strides = array<i32>} : memref<2x128xf32, #tpu.memory_space<vmem>>, vector<16xf32>,
      tpu.vector_store %arg9[%swap3A_99, %swap3A_100], %broadcast_in_dim3A_81 {strides = array<i32>} : memref<2x128xf32, #tpu.memory_space<vmem>>, vector<16xf32>,
      %swap3A_102 = arith.constant 1 : i32
      %swap3A_103 = arith.index_cast %swap3A_102 : i32 to index
      %swap3A_104 = arith.constant 80 : index
      %swap3A_105 = tpu.vector_load %arg9[%swap3A_103, %swap3A_104] {strides = array<i32>} : memref<2x128xf32, #tpu.memory_space<vmem>>, vector<16xf32>,
      tpu.vector_store %arg9[%swap3A_103, %swap3A_104], %broadcast_in_dim3A_81 {strides = array<i32>} : memref<2x128xf32, #tpu.memory_space<vmem>>, vector<16xf32>,
      %swap3A_106 = arith.constant 1 : i32
      %swap3A_107 = arith.index_cast %swap3A_106 : i32 to index
      %swap3A_108 = arith.constant 96 : index
      %swap3A_109 = tpu.vector_load %arg9[%swap3A_107, %swap3A_108] {strides = array<i32>} : memref<2x128xf32, #tpu.memory_space<vmem>>, vector<16xf32>,
      tpu.vector_store %arg9[%swap3A_107, %swap3A_108], %broadcast_in_dim3A_81 {strides = array<i32>} : memref<2x128xf32, #tpu.memory_space<vmem>>, vector<16xf32>,
      %swap3A_110 = arith.constant 1 : i32
      %swap3A_111 = arith.index_cast %swap3A_110 : i32 to index
      %swap3A_112 = arith.constant 112 : index
      %swap3A_113 = tpu.vector_load %arg9[%swap3A_111, %swap3A_112] {strides = array<i32>} : memref<2x128xf32, #tpu.memory_space<vmem>>, vector<16xf32>,
      tpu.vector_store %arg9[%swap3A_111, %swap3A_112], %broadcast_in_dim3A_81 {strides = array<i32>} : memref<2x128xf32, #tpu.memory_space<vmem>>, vector<16xf32>,
      "tpu.region"() ({
        %run_scoped3A = tpu.sem_alloc : memref<!tpu.dma_semaphore, #tpu.memory_space<semaphore_mem>>
        tpu.enqueue_dma source(%arg9 : memref<2x128xf32, #tpu.memory_space<vmem>>) target(%arg5 : memref<2x128xf32, #tpu.memory_space<hbm>>) target_semaphore(%run_scoped3A : memref<!tpu.dma_semaphore, #tpu.memory_space<semaphore_mem>>)
        tpu.wait_dma2 semaphore(%run_scoped3A : memref<!tpu.dma_semaphore, #tpu.memory_space<semaphore_mem>>) src(%arg9 : memref<2x128xf32, #tpu.memory_space<vmem>>) dst(%arg5 : memref<2x128xf32, #tpu.memory_space<hbm>>)
        tpu.yield
      }) : () -> ()
    } else {
    }
    return
  }
}

</mosaic_0001>

<sc_bundles>
// kernel: _run.3.cloned.1.call-start
scs
__scs_entry_jumppad:
0x0: {  	(pc) =	sbr.rel $0x88, $3  }
0x1: {  	(tag) =	ssettag $0x0;
	lr =	simm.s32 $0x1  }
0x2: {  	[smem:$0x3F9E] =	sst lr;
	_ =	strace $0xD0000000  }
0x3: {  	_ = 	snop  }
0x4: {  	_ = 	snop  }
0x5: {  	_ = 	snop  }
0x6: {  	_ = 	snop  }
0x7: {  	_ = 	snop  }
__scs_overlays_trampoline_lowered:
0x8: {  	[smem:$0x3FAD] =	sst s0  }
0x9: {  	[smem:$0x3FAE] =	sst s1  }
0xa: {  	[smem:$0x3FAF] =	sst s2  }
0xb: {  	[smem:$0x3FB0] =	sst s3  }
0xc: {  	[smem:$0x3FB1] =	sst s4  }
0xd: {  	[smem:$0x3FB2] =	sst s5  }
0xe: {  	[smem:$0x3FB3] =	sst s6  }
0xf: {  	[smem:$0x3FB4] =	sst s7  }
0x10: {  	[smem:$0x3FB5] =	sst s8  }
0x11: {  	[smem:$0x3FB6] =	sst s9;
	s0 =	simm.s32 @!p0 $0x0  }
0x12: {  	s1 =	sld [smem:$0x3F9C];
	s0 =	simm.s32 @p0 $0x1  }
0x13: {  	[smem:$0x3FB7] =	sst s0;
	s0 =	simm.s32 @!p1 $0x0  }
0x14: {  	s2 =	sld [smem:$0x3F9B];
	s0 =	simm.s32 @p1 $0x1  }
0x15: {  	[smem:$0x3FB8] =	sst s0;
	s0 =	simm.s32 @!p2 $0x0  }
0x16: {  	s3 =	sld [smem:$0x3FDB];
	s0 =	simm.s32 @p2 $0x1  }
0x17: {  	s4 =	simm.s32 $0x1BF5;
	[smem:$0x3FBA] =	sst s0  }
0x18: {  	s0 =	sld [smem:$0x3F9D];
	_ =	swait.ge [sflag:s4], $0x0  }
0x19: {  	s7 =	sld [smem:$0x3F9E]  }
0x1a: {  	s8 =	sadd.s32 $0xFFFFE003, lr  }
0x1b: {  	s9 =	sadd.s32 $0xFFFFFEF7, lr;
	s5 =	simm.s32 $0xFFFFFFFF;
	p2 =	slt.u32 s8, $0xFFFFF086  }
0x1c: {  	p1 =	slt.u32 s9, $0xF7A;
	s5 =	simm.s32 @!p2 $0x0  }
0x1d: {  	s5 =	simm.s32 @p1 $0x1;
	p0 =	seq.s32 s7, s2  }
0x1e: {  	s7 =	smul.u32 @!p0 $0xF7A, s2;
	p2 =	seq.s32 @!p0 s5, $0x0  }
0x1f: {  	s9 =	smul.u32 $0xF7A, s1;
	s8 =	simm.s32 @!p0 $0x1BF5;
	p2 =	por !p2, p0  }
0x20: {  	[sflag:s8] =	ssyncset.s32 @!p0 $0xFFFFF086;
	s6 =	sadd.s32 @!p0 s3, s7;
	s7 =	simm.s32 @!p0 $0x108  }
0x21: {  	s3 =	sadd.s32 s3, s9;
	s6 =	sadd.s32 @!p0 $0x88, s6;
	s7 =	simm.s32 @p2 $0x1082  }
0x22: {  	[simem:s7], [sflag:s8] =	dma.local @!p0 [hbm:s6], $0xF7A  }
0x23: {  	s9 =	sor.u32 $0xD0000000, s2;
	s6 =	simm.s32 $0x108;
	_ =	swait.ge @!p0 [sflag:s8], $0x0  }
0x24: {  	s3 =	sadd.s32 $0x88, s3;
	s6 =	simm.s32 @!p1 $0x1082;
	[sflag:s4] =	ssyncset.s32 $0xFFFFF086  }
0x25: {  	[simem:s6], [sflag:s4] =	dma.local [hbm:s3], $0xF7A  }
0x26: {  	[smem:$0x3F9E] =	sst s1;
	(tag) =	ssettag s2;
	_ =	strace s9  }
0x27: {  	s1 =	sld [smem:$0x3FAE]  }
0x28: {  	s2 =	sld [smem:$0x3FAF]  }
0x29: {  	s4 =	sld [smem:$0x3FB1]  }
0x2a: {  	p0 =	seq.s32 s5, $0x0;
	s5 =	sld [smem:$0x3FB2]  }
0x2b: {  	s6 =	sld [smem:$0x3FB3]  }
0x2c: {  	s7 =	sld [smem:$0x3FB4]  }
0x2d: {  	s3 =	simm.s32 $0x108;
	s8 =	sld [smem:$0x3FB5]  }
0x2e: {  	s3 =	simm.s32 @!p0 $0x1082;
	s9 =	sld [smem:$0x3FB6]  }
0x2f: {  	lr =	sadd.s32 s0, s3;
	s0 =	sld [smem:$0x3FAD]  }
0x30: {  	s3 =	sld [smem:$0x3FB0]  }
0x31: {  	[smem:$0x3FB9] =	sst s10  }
0x32: {  	s10 =	sld [smem:$0x3FB7];
	_ =	sdelay $0x3  }
0x33: {  	p0 =	seq.s32 s10, $0x1;
	s10 =	sld [smem:$0x3FB9];
	_ =	sdelay $0x3  }
0x34: {  	[smem:$0x3FB9] =	sst s10  }
0x35: {  	s10 =	sld [smem:$0x3FB8];
	_ =	sdelay $0x3  }
0x36: {  	p1 =	seq.s32 s10, $0x1;
	s10 =	sld [smem:$0x3FB9];
	_ =	sdelay $0x3  }
0x37: {  	[smem:$0x3FB9] =	sst s10  }
0x38: {  	s10 =	sld [smem:$0x3FBA]  }
0x39: {  	_ = 	snop;
	(pc) =	sbr.ind lr, $3  }
0x3a: {  	_ = 	snop  }
0x3b: {  	_ = 	snop  }
0x3c: {  	p2 =	seq.s32 s10, $0x1;
	s10 =	sld [smem:$0x3FB9]  }
0x3d: {  	_ =	shalt  }
0x3e: {  	_ =	shalt  }
0x3f: {  	_ =	shalt  }
0x40: {  	_ =	shalt  }
0x41: {  	_ =	shalt  }
0x42: {  	_ =	shalt  }
0x43: {  	_ =	shalt  }
0x44: {  	_ =	shalt  }
0x45: {  	_ =	shalt  }
0x46: {  	_ =	shalt  }
0x47: {  	_ =	shalt  }
0x48: {  	_ =	shalt  }
0x49: {  	_ =	shalt  }
0x4a: {  	_ =	shalt  }
0x4b: {  	_ =	shalt  }
0x4c: {  	_ =	shalt  }
0x4d: {  	_ =	shalt  }
0x4e: {  	_ =	shalt  }
0x4f: {  	_ =	shalt  }
0x50: {  	_ =	shalt  }
0x51: {  	_ =	shalt  }
0x52: {  	_ =	shalt  }
0x53: {  	_ =	shalt  }
0x54: {  	_ =	shalt  }
0x55: {  	_ =	shalt  }
0x56: {  	_ =	shalt  }
0x57: {  	_ =	shalt  }
0x58: {  	_ =	shalt  }
0x59: {  	_ =	shalt  }
0x5a: {  	_ =	shalt  }
0x5b: {  	_ =	shalt  }
0x5c: {  	_ =	shalt  }
0x5d: {  	_ =	shalt  }
0x5e: {  	_ =	shalt  }
0x5f: {  	_ =	shalt  }
0x60: {  	_ =	shalt  }
0x61: {  	_ =	shalt  }
0x62: {  	_ =	shalt  }
0x63: {  	_ =	shalt  }
0x64: {  	_ =	shalt  }
0x65: {  	_ =	shalt  }
0x66: {  	_ =	shalt  }
0x67: {  	_ =	shalt  }
0x68: {  	_ =	shalt  }
0x69: {  	_ =	shalt  }
0x6a: {  	_ =	shalt  }
0x6b: {  	_ =	shalt  }
0x6c: {  	_ =	shalt  }
0x6d: {  	_ =	shalt  }
0x6e: {  	_ =	shalt  }
0x6f: {  	_ =	shalt  }
0x70: {  	_ =	shalt  }
0x71: {  	_ =	shalt  }
0x72: {  	_ =	shalt  }
0x73: {  	_ =	shalt  }
0x74: {  	_ =	shalt  }
0x75: {  	_ =	shalt  }
0x76: {  	_ =	shalt  }
0x77: {  	_ =	shalt  }
0x78: {  	_ =	shalt  }
0x79: {  	_ =	shalt  }
0x7a: {  	_ =	shalt  }
0x7b: {  	_ =	shalt  }
0x7c: {  	_ =	shalt  }
0x7d: {  	_ =	shalt  }
0x7e: {  	_ =	shalt  }
0x7f: {  	_ =	shalt  }
0x80: {  	_ =	shalt  }
0x81: {  	_ =	shalt  }
0x82: {  	_ =	shalt  }
0x83: {  	_ =	shalt  }
0x84: {  	_ =	shalt  }
0x85: {  	_ =	shalt  }
0x86: {  	_ =	shalt  }
0x87: {  	_ =	shalt  }
.Lfunc_end0:
.L_simem_size_0:
called_computation_lowered:
.L_overlay_start_0:
0x88: {  	s0 =	sld [smem:$0x3FD9]  }
0x89: {  	s1 =	sld [smem:$0x3FFE];
	_ =	sdelay $0x3  }
0x8a: {  	s0 =	sadd.s32 s1, s0  }
0x8b: {  	[smem:$0x3FC5] =	sst s0  }
0x8c: {  	_ = 	snop  }
0x8d: {  	s0 =	sld [smem:$0x3FC9]  }
0x8e: {  	s17 =	sld [smem:$0x3FC8]  }
0x8f: {  	s2 =	sld [smem:$0x3FC7]  }
0x90: {  	s3 =	sld [smem:$0x3FD0];
	(tm) =	ssettm $0x1  }
0x91: {  	s4 =	sld [smem:$0x3FFB];
	_ =	sdelay $0x3  }
0x92: {  	_ =	strace s4  }
0x93: {  	s4 =	sld [smem:$0x3FFC];
	_ =	sdelay $0x3  }
0x94: {  	_ =	strace s4  }
0x95: {  	s4 =	sld [smem:$0x3FFD];
	_ =	sdelay $0x3  }
0x96: {  	_ =	strace s4  }
0x97: {  	_ =	strace $0x8FFFFFFF  }
0x98: {  	s18 =	sld [smem:$0x3FDB];
	_ =	sdelay $0x1  }
0x99: {  	s5 =	simm.s32 $_scs_section_size  }
0x9a: {  	s6 =	simm.s32 $_size__tile_overlayer_lowered;
	s7 =	simm.s32 $_tile_overlayer_lowered  }
0x9b: {  	s21 =	simm.s32 $0x1BFF;
	s20 =	sshll.u32 s7, $0x1;
	s4 =	sadd.s32 s5, s18  }
0x9c: {  	s8 =	simm.s32 $0x0;
	s19 =	sshll.u32 s6, $0x1;
	s6 =	sadd.s32 s20, s4  }
0x9d: {  	[timem:s8], [sflag:s21] =	dma.local [hbm:s6], s19  }
0x9e: {  	_ =	swait.ge [sflag:s21], s19  }
0x9f: {  	s5 =	ssub.s32 $0x0, s19;
	[sflag:s21] =	ssyncset.done $0x0  }
0xa0: {  	[sflag:s21] =	ssyncadd.s32 s5;
	_ =	sdelay $0x1  }
0xa1: {  	s22 =	simm.s32 $0x1B8B  }
0xa2: {  	_ =	swait.ge [sflag:s22], $0x1  }
0xa3: {  	[sflag:s22] =	ssyncset.done $0x0  }
0xa4: {  	s23 =	simm.s32 $0x1B8E;
	[sflag:s22] =	ssyncadd.s32 $0xFFFFFFFF  }
0xa5: {  	s24 =	simm.s32 $execute0_lowered;
	[smem:$0x3FD2] =	sst s23  }
0xa6: {  	s5 =	sshll.u32 s24, $0x1;
	_ =	strace $0x80000046;
	[dreg:$0x1] =	wrdreg $0xFFFFFFFF  }
0xa7: {  	s25 =	simm.s32 $_size_execute0_lowered;
	s4 =	sadd.s32 s4, s5;
	[dreg:$0x0] =	wrdreg $0x0  }
0xa8: {  	s5 =	sshll.u32 s25, $0x1;
	[dreg:$0x2] =	wrdreg s4  }
0xa9: {  	[dreg:$0x3] =	wrdreg s5  }
0xaa: {  	[dreg:$0x4] =	wrdreg $0xC0  }
0xab: {  	_ =	task [dreg:s8], $0x5FFFF  }
0xac: {  	[dreg:$0x1] =	wrdreg $0xFFFFFFFF  }
0xad: {  	[dreg:$0x0] =	wrdreg $0x60  }
0xae: {  	[dreg:$0x2] =	wrdreg s0  }
0xaf: {  	[dreg:$0x3] =	wrdreg s17  }
0xb0: {  	[dreg:$0x4] =	wrdreg s2  }
0xb1: {  	[dreg:$0x5] =	wrdreg s3  }
0xb2: {  	[dreg:$0x6] =	wrdreg $0x9  }
0xb3: {  	_ =	task.clear_ibuf [dreg:s8], $0x7FFFF;
	_ =	strace $0x90000046  }
0xb4: {  	s26 =	simm.s32 $0x9;
	_ =	strace $0x80000048  }
0xb5: {  	_ =	swait.ge [sflag:s26], $0x1  }
0xb6: {  	[sflag:s26] =	ssyncadd.s32 $0xFFFFFFFF  }
0xb7: {  	_ =	strace $0x90000048  }
0xb8: {  	_ =	sfence  }
0xb9: {  	s28 =	sld [smem:$0x0];
	_ =	sdelay $0x1  }
0xba: {  	s29 =	srdreg.scid  }
0xbb: {  	s30 =	sshll.u32 s29, $0xD;
	s31 =	sshrl.u32 s29, $0x2  }
0xbc: {  	s1 =	sand.u32 $0x1, s29;
	s2 =	sand.u32 $0x4000, s30;
	s0 =	sadd.s32 s31, s28  }
0xbd: {  	s1 =	sor.u32 s2, s1;
	s0 =	sshll.u32 s0, $0x11  }
0xbe: {  	s0 =	sor.u32 s0, s1  }
0xbf: {  	s0 =	sadd.s32 $0x8F2B, s0  }
0xc0: {  	[sflag:s0] =	ssyncadd.remote.s32 $0x1  }
0xc1: {  	_ =	sfence.sel $0xFFFF  }
0xc2: {  	[dreg:$0x0] =	wrdreg $0xFFFFFFFF;
	(pc) =	sbr.abs _section_cstart, $3  }
0xc3: {  	[dreg:$0x1] =	wrdreg $0xFFFFFFFF  }
0xc4: {  	_ =	task.clear_ibuf [dreg:s8], $0x2FFFF;
	_ =	strace $0x9FFFFFFF  }
0xc5: {  	(tm) =	ssettm $0x7FFFFFFF  }
tec
execute0_lowered:
.L_overlay_start_1:
0x0: {  	(tag) =	ssettag $0x1  }
0x1: {  	s2 =	rddreg [dreg:$0x0]  }
0x2: {  	s4 =	rddreg [dreg:$0x1]  }
0x3: {  	s3 =	rddreg [dreg:$0x2]  }
0x4: {  	s1 =	rddreg [dreg:$0x3];
	s5 =	stileid.u32  }
0x5: {  	s0 =	rddreg [dreg:$0x4];
	_ =	strace $0x80000047;
	p0 =	sne.s32 s5, $0x0  }
0x6: {  	_ =	sfence.sel @p0 $0x180000  }
0x7: {  	[bflag:$0x0] =	sbarrier.arrive @p0 $0xFFFF  }
0x8: {  	_ =	strace @p0 $0x90000047  }
0x9: {  	[bflag:$0x2] =	sbarrier.arrive @p0 $0xFFFF  }
0xa: {  	_ =	shalt @p0  }
.LBB2_1:
0xb: {  	s5 =	simm.s32 $0x800;
	s6 =	simm.s32 $0xC3800;
	s7 =	simm.s32 $0x0  }
0xc: {  	[tilespmem:s7], [sflag:$0x1] =	stream.strided.gather [hbm4b:s2+s5], $0x3800, s6, s5, $0x38;
	[tilespmem:$0x3A80] =	vst v63  }
0xd: {  	s2 =	simm.s32 $0x3800  }
0xe: {  	[tilespmem:s2], [sflag:$0x1] =	stream.linear.gather [hbm4b:s4+s7], $0x100, $0x38;
	[tilespmem:$0x3A80] =	vst v63  }
0xf: {  	s18 =	simm.s32 $0x3900;
	s19 =	simm.s32 $0x1  }
0x10: {  	[tilespmem:s18], [sflag:$0x1] =	stream.linear.gather [hbm4b:s3+s7], $0x80, $0x38;
	[tilespmem:$0x3A80] =	vst v63  }
0x11: {  	_ =	swait.ge [sflag:s19], $0x100  }
0x12: {  	[sflag:s19] =	ssyncset.done $0x0  }
0x13: {  	[sflag:s19] =	ssyncadd.s32 $0xFFFFFF00  }
0x14: {  	_ =	swait.ge [sflag:s19], $0x80  }
0x15: {  	[sflag:s19] =	ssyncset.done $0x0  }
0x16: {  	[sflag:s19] =	ssyncadd.s32 $0xFFFFFF80  }
0x17: {  	s20 =	simm.s32 $0x0;
	s21 =	simm.s32 $0x80;
	_ =	swait.ge [sflag:s19], $0x3800  }
0x18: {  	s22 =	sand.u32 $0x3800, s7;
	s4 =	sand.u32 $0x300, s20;
	[sflag:s19] =	ssyncset.done $0x0  }
0x19: {  	s24 =	sand.u32 $0x380, s21;
	s23 =	sor.u32 s4, s22;
	[sflag:s19] =	ssyncadd.s32 $0xFFFFC800  }
0x1a: {  	s4 =	sor.u32 s24, s22;
	v0 =	vld [tilespmem:s23+$0x430]  }
0x1b: {  	v1 =	vld [tilespmem:s4+$0x430]  }
0x1c: {  	v2 =	vld [tilespmem:s4+$0x420]  }
0x1d: {  	v3 =	vld [tilespmem:s4+$0x400]  }
0x1e: {  	v4 =	vld [tilespmem:s4+$0x70]  }
0x1f: {  	v5 =	vld [tilespmem:s4+$0x60]  }
0x20: {  	v6 =	vld [tilespmem:s23+$0x420]  }
0x21: {  	v7 =	vld [tilespmem:s4+$0x50]  }
0x22: {  	v8 =	vld [tilespmem:s23+$0x410]  }
0x23: {  	v9 =	vld [tilespmem:s4+$0x40]  }
0x24: {  	v10 =	vld [tilespmem:s4+$0x30]  }
0x25: {  	v11 =	vld [tilespmem:s23+$0x400]  }
0x26: {  	v12 =	vld [tilespmem:s4+$0x10]  }
0x27: {  	v13 =	vld [tilespmem:s23+$0x60]  }
0x28: {  	v14 =	vld [tilespmem:s4+$0x0]  }
0x29: {  	v15 =	vld [tilespmem:s23+$0x30]  }
0x2a: {  	v16 =	vld [tilespmem:s23+$0x10]  }
0x2b: {  	v17 =	vld [tilespmem:s23+$0x20]  }
0x2c: {  	v18 =	vld [tilespmem:s23+$0x70]  }
0x2d: {  	v19 =	vld [tilespmem:s23+$0x0]  }
0x2e: {  	v20 =	vld [tilespmem:s4+$0x20]  }
0x2f: {  	v21 =	vmov s7;
	v22 =	vld [tilespmem:s4+$0x410]  }
0x30: {  	v24 =	vld [tilespmem:s4+$0x440]  }
0x31: {  	s25 =	simm.s32 $0x1;
	v26 =	vld [tilespmem:s23+$0x40]  }
0x32: {  	s26 =	simm.s32 $0x100;
	v25 =	vmov s25;
	s5 =	simm.s32 $0x200;
	v23 =	vor.u32 $0x80, v21;
	v28 =	vld [tilespmem:s23+$0x50]  }
0x33: {  	s28 =	simm.s32 $0x180;
	v27 =	vor.u32 $0x80, v25;
	s29 =	sand.u32 $0x3800, s5;
	s3 =	sand.u32 $0x300, s26;
	v29 =	vld [tilespmem:s23+$0x440]  }
0x34: {  	s3 =	sor.u32 s3, s29;
	v21 =	vld.idx.msk [tilespmem:v21+s2+$0x0], $0xffff;
	s4 =	sand.u32 $0x380, s28;
	v4 =	vadd.f32 v4, v5  }
0x35: {  	v58 =	vld [tilespmem:s3+$0x10];
	s4 =	sor.u32 s4, s29;
	v5 =	vadd.f32 v7, v9;
	v1 =	vadd.f32 v1, v2  }
0x36: {  	v60 =	vld [tilespmem:s4+$0x410];
	v10 =	vadd.f32 v10, v20;
	v3 =	vadd.f32 v22, v3  }
0x37: {  	v7 =	vld.idx.msk [tilespmem:v23+s2+$0x0], $0xffff;
	v4 =	vadd.f32 v4, v5;
	v5 =	vadd.f32 v12, v14  }
0x38: {  	v2 =	vld.idx.msk [tilespmem:v27+s2+$0x0], $0xffff;
	v8 =	vadd.f32 v8, v11  }
0x39: {  	vm0 =	vmmov $0xff;
	v9 =	vld.idx.msk [tilespmem:v25+s2+$0x0], $0xffff;
	(xrf2) =	vadd.scan.msk.f32 $0xffff, v21;
	v1 =	vadd.f32 v1, v3;
	v5 =	vadd.f32 v10, v5  }
0x3a: {  	v11 =	vld [tilespmem:s3+$0x430];
	v0 =	vadd.f32 v0, v6;
	v10 =	vadd.f32 v18, v13;
	v13 =	vnsel vm0, $0x0, v24  }
0x3b: {  	v6 =	vld [tilespmem:s4+$0x420];
	v1 =	vadd.f32 v13, v1;
	v4 =	vadd.f32 v4, v5  }
0x3c: {  	v12 =	vadd.f32 v15, v17;
	v14 =	vld [tilespmem:s4+$0x430]  }
0x3d: {  	v15 =	vadd.f32 v16, v19;
	v16 =	vld [tilespmem:s4+$0x400];
	v1 =	vadd.f32 v1, v4  }
0x3e: {  	v3 =	vadd.f32 v28, v26;
	v17 =	vld [tilespmem:s4+$0x70]  }
0x3f: {  	v0 =	vadd.f32 v0, v8;
	v19 =	vld [tilespmem:s3+$0x30];
	(xrf2) =	vadd.scan.msk.f32 $0xffff, v1  }
0x40: {  	v8 =	vadd.f32 v12, v15;
	v12 =	vld [tilespmem:s3+$0x420];
	v3 =	vadd.f32 v10, v3;
	(xrf2) =	vadd.scan.msk.f32 $0xffff, v2  }
0x41: {  	v15 =	vld [tilespmem:s3+$0x400];
	v4 =	vnsel vm0, $0x0, v29  }
0x42: {  	v18 =	vld [tilespmem:s4+$0x10];
	v3 =	vadd.f32 v3, v8;
	v0 =	vadd.f32 v4, v0  }
0x43: {  	v13 =	vld [tilespmem:s3+$0x410];
	v1, _, _ =	vpop (xrf2)  }
0x44: {  	v5 =	vld [tilespmem:s4+$0x60];
	v0 =	vadd.f32 v0, v3;
	(v2sf) =	vpush v1, $0xF  }
0x45: {  	v10 =	vld [tilespmem:s4+$0x50]  }
0x46: {  	v8 =	vld [tilespmem:s4+$0x40];
	(xrf2) =	vadd.scan.msk.f32 $0xffff, v0  }
0x47: {  	v2 =	vld [tilespmem:s4+$0x30];
	(xrf2) =	vadd.scan.msk.f32 $0xffff, v9  }
0x48: {  	v0 =	vadd.f32 v14, v6;
	v14 =	vld [tilespmem:s4+$0x20]  }
0x49: {  	s30 =	simm.s32 $0x2;
	v9 =	vld [tilespmem:s4+$0x0];
	(xrf2) =	vadd.scan.msk.f32 $0xffff, v7;
	v59, _, _ =	vpop (xrf2)  }
0x4a: {  	v3 =	vadd.f32 v17, v5;
	v17 =	vmov s30;
	v7 =	vld [tilespmem:s3+$0x20];
	v6, _, _ =	vpop (xrf2)  }
0x4b: {  	v5 =	vadd.f32 v10, v8;
	v8 =	vld [tilespmem:s3+$0x0];
	(v2sf) =	vpush v6, $0xF  }
0x4c: {  	v4 =	vld [tilespmem:s3+$0x70]  }
0x4d: {  	v12 =	vadd.f32 v11, v12;
	v61 =	vor.u32 $0x80, v17;
	v1 =	vld [tilespmem:s3+$0x60];
	(v2sf) =	vpush v59, $0xF  }
0x4e: {  	v10 =	vld [tilespmem:s3+$0x40];
	v3 =	vadd.f32 v3, v5;
	v63 =	vadd.f32 v2, v14  }
0x4f: {  	s31 =	simm.s32 $0x3;
	v11 =	vld.idx.msk [tilespmem:v17+s2+$0x0], $0xffff;
	v18 =	vadd.f32 v18, v9;
	v5 =	vadd.f32 v19, v7  }
0x50: {  	v19 =	vadd.f32 v13, v15;
	v13 =	vld [tilespmem:s3+$0x50];
	v7 =	vadd.f32 v58, v8;
	v8 =	vmov s31;
	v62, _, _ =	vpop (xrf2)  }
0x51: {  	v17 =	vadd.f32 v60, v16;
	v14 =	vor.u32 $0x80, v8;
	v6 =	vld [tilespmem:s4+$0x440];
	v15, _, _ =	vpop (xrf2)  }
0x52: {  	s8 =	simm.s32 $0x4;
	s6 =	simm.s32 $0x280;
	v2 =	vld.idx.msk [tilespmem:v61+s2+$0x0], $0xffff;
	v16 =	vadd.f32 v63, v18;
	(v2sf) =	vpush v15, $0xF  }
0x53: {  	v9 =	vld [tilespmem:s3+$0x440];
	s3 =	simm.f32 $0.0e+00;
	s4 =	simm.f32 $0.0e+00;
	v12 =	vadd.f32 v12, v19;
	v15, _, _ =	vpop (xrf2);
	(v2sf) =	vpush v62, $0xF;
	s10 =	spop (v2sf)  }
.LBB2_2:
0x54: {  	s11 =	sadd.s32 $0xFFFFFF80, s6  }
0x55: {  	v0 =	vadd.f32 v0, v17;
	s5 =	sadd.s32 $0x200, s5;
	(v2sf) =	vpush v15, $0xF;
	s9 =	smov.u32 s8;
	s7 =	sadd.s32 $0x2, s8  }
0x56: {  	p0 =	slt.u32 s8, $0x30;
	v1 =	vadd.f32 v4, v1;
	v4 =	vnsel vm0, $0x0, v6;
	s12 =	sand.u32 $0x3800, s5;
	s11 =	sand.u32 $0x300, s11;
	v10 =	vadd.f32 v13, v10;
	v6 =	vld.idx.msk [tilespmem:v14+s2+$0x0], $0xffff  }
0x57: {  	v3 =	vadd.f32 v3, v16;
	s8 =	sor.u32 s11, s12;
	s11 =	sand.u32 $0x380, s6;
	v0 =	vadd.f32 v4, v0;
	v4 =	vld.idx.msk [tilespmem:v8+s2+$0x0], $0xffff  }
0x58: {  	v5 =	vadd.f32 v5, v7;
	v14 =	vld [tilespmem:s8+$0x430];
	s11 =	sor.u32 s11, s12;
	v1 =	vadd.f32 v1, v10  }
0x59: {  	v8 =	vnsel vm0, $0x0, v9;
	v7 =	vld [tilespmem:s11+$0x430];
	v0 =	vadd.f32 v0, v3;
	(xrf2) =	vadd.scan.msk.f32 $0xffff, v11  }
0x5a: {  	v3 =	vld [tilespmem:s11+$0x420];
	v1 =	vadd.f32 v1, v5;
	v5 =	vadd.f32 v8, v12;
	s12 =	spop (v2sf)  }
0x5b: {  	v12 =	vld [tilespmem:s11+$0x400]  }
0x5c: {  	v8 =	vld [tilespmem:s11+$0x70];
	v1 =	vadd.f32 v5, v1;
	(xrf2) =	vadd.scan.msk.f32 $0xffff, v0;
	s13 =	spop (v2sf)  }
0x5d: {  	v5 =	vld [tilespmem:s11+$0x60]  }
0x5e: {  	v9 =	vld [tilespmem:s8+$0x420]  }
0x5f: {  	s13 =	smul.f32 $7.812500000e-03, s13;
	v10 =	vld [tilespmem:s11+$0x50];
	v0 =	vadd.f32 v7, v3;
	(xrf2) =	vadd.scan.msk.f32 $0xffff, v6  }
0x60: {  	v7 =	vld [tilespmem:s8+$0x410]  }
0x61: {  	s10 =	smul.f32 $6.250000000e-02, s10;
	s14 =	sshrl.u32 s13, $0x10;
	v3 =	vld [tilespmem:s11+$0x40];
	s15 =	spop (v2sf)  }
0x62: {  	s14 =	sand.u32 $0x1, s14;
	v11 =	vld [tilespmem:s11+$0x30];
	v5 =	vadd.f32 v8, v5;
	(xrf2) =	vadd.scan.msk.f32 $0xffff, v1;
	s15 =	smul.f32 $6.250000000e-02, s15;
	s16 =	spop (v2sf)  }
0x63: {  	s17 =	sshrl.u32 s10, $0x10;
	s13 =	sadd.s32 s14, s13;
	v8 =	vld [tilespmem:s8+$0x400];
	v1, _, _ =	vpop (xrf2);
	s16 =	smul.f32 $7.812500000e-03, s16  }
0x64: {  	s14 =	sand.u32 $0x1, s17;
	s13 =	sadd.s32 $0x7FFF, s13;
	v6 =	vld [tilespmem:s11+$0x10];
	(v2sf) =	vpush v1, $0xF;
	s17 =	spop (v2sf)  }
0x65: {  	s12 =	smul.f32 $6.250000000e-02, s12;
	s14 =	sadd.s32 s14, s10;
	s10 =	sand.u32 $0xFFFF0000, s13;
	v1 =	vld [tilespmem:s8+$0x60];
	(xrf2) =	vadd.scan.msk.f32 $0xffff, v4  }
0x66: {  	s18 =	sshrl.u32 s15, $0x10;
	s13 =	sshrl.u32 s16, $0x10;
	v13 =	vld [tilespmem:s11+$0x0];
	v3 =	vadd.f32 v10, v3;
	v10, _, _ =	vpop (xrf2)  }
0x67: {  	s19 =	sshrl.u32 s12, $0x10;
	s17 =	smul.f32 $6.250000000e-02, s17;
	s18 =	sand.u32 $0x1, s18;
	v15 =	vld [tilespmem:s8+$0x30]  }
0x68: {  	s14 =	sadd.s32 $0x7FFF, s14;
	s15 =	sadd.s32 s18, s15;
	s18 =	sand.u32 $0x1, s19;
	v16 =	vld [tilespmem:s8+$0x10];
	v3 =	vadd.f32 v5, v3;
	(xrf2) =	vadd.scan.msk.f32 $0xffff, v2  }
0x69: {  	s14 =	sand.u32 $0xFFFF0000, s14;
	s13 =	sand.u32 $0x1, s13;
	s12 =	sadd.s32 s18, s12;
	v2 =	vld [tilespmem:s8+$0x20];
	v5, _, _ =	vpop (xrf2)  }
0x6a: {  	s13 =	sadd.s32 s13, s16;
	s16 =	sshrl.u32 s17, $0x10;
	s12 =	sadd.s32 $0x7FFF, s12;
	v4 =	vld [tilespmem:s8+$0x70];
	(v2sf) =	vpush v5, $0xF  }
0x6b: {  	s13 =	sadd.s32 $0x7FFF, s13;
	s16 =	sand.u32 $0x1, s16;
	s12 =	sand.u32 $0xFFFF0000, s12;
	v17 =	vld [tilespmem:s8+$0x0];
	v18 =	vadd.f32 v6, v13  }
0x6c: {  	s15 =	sadd.s32 $0x7FFF, s15;
	s13 =	sand.u32 $0xFFFF0000, s13;
	s16 =	sadd.s32 s16, s17;
	v19 =	vld [tilespmem:s11+$0x20];
	v20, _, _ =	vpop (xrf2);
	(v2sf) =	vpush v10, $0xF  }
0x6d: {  	v21 =	vmov s9;
	s9 =	sadd.s32 $0x1, s9;
	s16 =	sadd.s32 $0x7FFF, s16;
	s14 =	smul.f32 s13, s14;
	v22 =	vld [tilespmem:s11+$0x410]  }
0x6e: {  	v23 =	vadd.f32 v7, v8;
	s12 =	smul.f32 s10, s12;
	v6 =	vld [tilespmem:s11+$0x440];
	s11 =	sand.u32 $0xFFFF0000, s16  }
0x6f: {  	v8 =	vmov s9;
	v5 =	vadd.f32 v15, v2;
	v2 =	vor.u32 $0x80, v21;
	s9 =	smul.f32 s13, s11  }
.Ltmp0:
0x70: {  	v10 =	vld [tilespmem:s8+$0x40];
	v15, _, _ =	vpop (xrf2);
	s11 =	sand.u32 $0xFFFF0000, s15;
	(pc) =	sbr.rel @p0 .LBB2_2-.Ltmp0, $4  }
0x71: {  	s4 =	sadd.f32 s14, s4;
	v13 =	vld [tilespmem:s8+$0x50];
	v7 =	vadd.f32 v16, v17;
	v16 =	vadd.f32 v14, v9;
	v14 =	vor.u32 $0x80, v8;
	s10 =	smul.f32 s10, s11  }
0x72: {  	v9 =	vld [tilespmem:s8+$0x440];
	v19 =	vadd.f32 v11, v19;
	(v2sf) =	vpush v15, $0xF;
	s3 =	sadd.f32 s9, s3  }
0x73: {  	s6 =	sadd.s32 $0x100, s6;
	v11 =	vld.idx.msk [tilespmem:v21+s2+$0x0], $0xffff;
	v17 =	vadd.f32 v22, v12;
	(v2sf) =	vpush v20, $0xF;
	v15, _, _ =	vpop (xrf2);
	s4 =	sadd.f32 s10, s4  }
0x74: {  	s8 =	smov.u32 s7;
	v12 =	vadd.f32 v16, v23;
	v2 =	vld.idx.msk [tilespmem:v2+s2+$0x0], $0xffff;
	v16 =	vadd.f32 v19, v18;
	s10 =	spop (v2sf);
	s3 =	sadd.f32 s12, s3  }
0x75: {  	_ =	sdelay $0x1  }
0x76: {  	v0 =	vadd.f32 v0, v17  }
0x77: {  	v1 =	vadd.f32 v4, v1;
	v45 =	vnsel vm0, $0x0, v6;
	v10 =	vadd.f32 v13, v10  }
0x78: {  	v46 =	vld.idx.msk [tilespmem:v14+s2+$0x0], $0xffff;
	v3 =	vadd.f32 v3, v16;
	v0 =	vadd.f32 v45, v0  }
0x79: {  	v47 =	vadd.f32 v5, v7;
	v1 =	vadd.f32 v1, v10  }
0x7a: {  	v48 =	vnsel vm0, $0x0, v9;
	v0 =	vadd.f32 v0, v3  }
0x7b: {  	v49 =	vld.idx.msk [tilespmem:v8+s2+$0x0], $0xffff;
	(xrf2) =	vadd.scan.msk.f32 $0xffff, v11;
	v50 =	vadd.f32 v48, v12;
	v1 =	vadd.f32 v1, v47  }
0x7c: {  	(xrf2) =	vadd.scan.msk.f32 $0xffff, v0  }
0x7d: {  	v51 =	vadd.f32 v50, v1;
	(xrf2) =	vadd.scan.msk.f32 $0xffff, v46;
	_ =	sdelay $0x1  }
0x7e: {  	(xrf2) =	vadd.scan.msk.f32 $0xffff, v51  }
0x7f: {  	v52 =	vlaneseq.u32;
	(xrf2) =	vadd.scan.msk.f32 $0xffff, v49  }
0x80: {  	(v2sf) =	vpush v15, $0xF;
	v0 =	vand.u32 $0x1, v52;
	_ =	sdelay $0x1  }
0x81: {  	vm9 =	vcmask $0xB08;
	vm1 =	vcmask $0x300  }
0x82: {  	vm10 =	vcmask $0x1310;
	vm0 =	vmor vm1, vm9  }
0x83: {  	s17 =	simm.s32 $0x3900;
	vm11 =	vcmask $0x1B18;
	vm0 =	vmor vm0, vm10;
	v53, _, _ =	vpop (xrf2)  }
0x84: {  	vm12 =	vcmask $0x2320;
	vm0 =	vmor vm0, vm11;
	v0 =	vld.idx.msk [tilespmem:v0+s17+$0x0], $0xffff;
	(xrf2) =	vadd.scan.msk.f32 $0xffff, v2;
	v54, _, _ =	vpop (xrf2)  }
0x85: {  	vm13 =	vcmask $0x2B28;
	s6 =	smul.f32 $6.250000000e-02, s10;
	vm0 =	vmor vm0, vm12;
	(v2sf) =	vpush v53, $0xF;
	v55, _, _ =	vpop (xrf2)  }
0x86: {  	vm14 =	vcmask $0x3330;
	s5 =	spop (v2sf);
	vm0 =	vmor vm0, vm13;
	(v2sf) =	vpush v55, $0xF  }
0x87: {  	vm15 =	vcmask $0x3B38;
	s10 =	sshrl.u32 s6, $0x10;
	s5 =	smul.f32 $6.250000000e-02, s5;
	s18 =	spop (v2sf);
	vm0 =	vmor vm0, vm14;
	v56, _, _ =	vpop (xrf2)  }
0x88: {  	s19 =	sand.u32 $0x1, s10;
	s2 =	smul.f32 $7.812500000e-03, s18;
	vm0 =	vmor vm0, vm15;
	s8 =	spop (v2sf);
	(v2sf) =	vpush v54, $0xF;
	v57, _, _ =	vpop (xrf2)  }
0x89: {  	s6 =	sadd.s32 s19, s6;
	s9 =	spop (v2sf);
	v58 =	vnsel vm0, $0x0, v0;
	(v2sf) =	vpush v57, $0xF  }
0x8a: {  	s6 =	sadd.s32 $0x7FFF, s6;
	s12 =	sshrl.u32 s5, $0x10;
	s7 =	sshrl.u32 s2, $0x10;
	(xrf2) =	vadd.scan.msk.f32 $0xffff, v58;
	(v2sf) =	vpush v56, $0xF  }
0x8b: {  	s6 =	sand.u32 $0xFFFF0000, s6;
	s22 =	sand.u32 $0x1, s12;
	s7 =	sand.u32 $0x1, s7  }
0x8c: {  	s5 =	sadd.s32 s22, s5;
	s2 =	sadd.s32 s7, s2;
	s8 =	smul.f32 $6.250000000e-02, s8  }
0x8d: {  	s5 =	sadd.s32 $0x7FFF, s5;
	s2 =	sadd.s32 $0x7FFF, s2;
	s9 =	smul.f32 $7.812500000e-03, s9  }
0x8e: {  	s5 =	sand.u32 $0xFFFF0000, s5;
	s2 =	sand.u32 $0xFFFF0000, s2;
	s11 =	spop (v2sf);
	v59, _, _ =	vpop (xrf2)  }
0x8f: {  	s21 =	sshrl.u32 s8, $0x10;
	s20 =	sshrl.u32 s9, $0x10;
	s11 =	smul.f32 $6.250000000e-02, s11;
	(v2sf) =	vpush v59, $0xF  }
0x90: {  	s5 =	smul.f32 s2, s5;
	s10 =	sand.u32 $0x1, s21;
	s7 =	sand.u32 $0x1, s20  }
0x91: {  	v0 =	vsel vm0, $0x0, v0;
	s8 =	sadd.s32 s10, s8;
	s7 =	sadd.s32 s7, s9;
	s23 =	sshrl.u32 s11, $0x10  }
0x92: {  	s8 =	sadd.s32 $0x7FFF, s8;
	s7 =	sadd.s32 $0x7FFF, s7;
	s9 =	sand.u32 $0x1, s23;
	(xrf2) =	vadd.scan.msk.f32 $0xffff, v0  }
0x93: {  	s8 =	sand.u32 $0xFFFF0000, s8;
	s7 =	sand.u32 $0xFFFF0000, s7;
	s9 =	sadd.s32 s9, s11  }
0x94: {  	s2 =	smul.f32 s2, s8;
	s9 =	sadd.s32 $0x7FFF, s9;
	v60, _, _ =	vpop (xrf2);
	s24 =	spop (v2sf)  }
0x95: {  	s6 =	smul.f32 s7, s6;
	s9 =	sand.u32 $0xFFFF0000, s9;
	s25 =	spop (v2sf);
	(v2sf) =	vpush v60, $0xF  }
0x96: {  	s7 =	smul.f32 s7, s9  }
0x97: {  	s4 =	sadd.f32 s6, s4;
	s26 =	spop (v2sf)  }
0x98: {  	s6 =	smul.f32 $7.812500000e-03, s26;
	s28 =	spop (v2sf)  }
0x99: {  	s29 =	smul.f32 $6.250000000e-02, s24;
	s30 =	spop (v2sf)  }
0x9a: {  	s31 =	sshrl.u32 s6, $0x10;
	s10 =	smul.f32 $7.812500000e-03, s30  }
0x9b: {  	s2 =	sadd.f32 s2, s4;
	s8 =	smul.f32 $6.250000000e-02, s28;
	s12 =	sand.u32 $0x1, s31  }
0x9c: {  	s13 =	sshrl.u32 s29, $0x10;
	v61, _, _ =	vpop (xrf2);
	s4 =	sadd.s32 s12, s6;
	s14 =	sshrl.u32 s10, $0x10  }
0x9d: {  	(v2sf) =	vpush v61, $0xF;
	s12 =	sand.u32 $0x1, s13;
	s15 =	sshrl.u32 s8, $0x10;
	s6 =	sand.u32 $0x1, s14  }
0x9e: {  	s17 =	spop (v2sf);
	s9 =	sadd.s32 s12, s29;
	s6 =	sadd.s32 s6, s10  }
0x9f: {  	s16 =	sand.u32 $0x1, s15;
	s9 =	sadd.s32 $0x7FFF, s9;
	s6 =	sadd.s32 $0x7FFF, s6  }
0xa0: {  	s8 =	sadd.s32 s16, s8;
	s9 =	sand.u32 $0xFFFF0000, s9;
	s6 =	sand.u32 $0xFFFF0000, s6  }
0xa1: {  	s4 =	sadd.s32 $0x7FFF, s4;
	s8 =	sadd.s32 $0x7FFF, s8;
	s9 =	smul.f32 s6, s9  }
0xa2: {  	s4 =	sand.u32 $0xFFFF0000, s4;
	s10 =	smul.f32 $6.250000000e-02, s17;
	s8 =	sand.u32 $0xFFFF0000, s8  }
0xa3: {  	s8 =	smul.f32 s4, s8;
	s2 =	sadd.f32 s9, s2  }
0xa4: {  	s18 =	smul.f32 $6.250000000e-02, s25;
	s19 =	sshrl.u32 s10, $0x10;
	s20 =	spop (v2sf)  }
0xa5: {  	s11 =	sand.u32 $0x1, s19;
	s2 =	sadd.f32 s8, s2;
	s21 =	smul.f32 $1.250000000e-01, s20  }
0xa6: {  	s3 =	sadd.f32 s7, s3;
	s22 =	sshrl.u32 s18, $0x10;
	s10 =	sadd.s32 s11, s10  }
0xa7: {  	s7 =	sand.u32 $0x1, s22;
	s10 =	sadd.s32 $0x7FFF, s10;
	s2 =	sadd.f32 s21, s2  }
0xa8: {  	s3 =	sadd.f32 s5, s3;
	s23 =	sadd.s32 s7, s18;
	s24 =	sand.u32 $0xFFFF0000, s10  }
0xa9: {  	s5 =	sadd.s32 $0x7FFF, s23;
	s6 =	smul.f32 s6, s24;
	s2 =	smax.f32 s2, $0.0e+00  }
0xaa: {  	s5 =	sand.u32 $0xFFFF0000, s5;
	v62 =	vmov s2  }
0xab: {  	s25 =	smul.f32 s4, s5;
	s3 =	sadd.f32 s6, s3;
	[tilespmem:$0x3980] =	vst v62  }
0xac: {  	s26 =	spop (v2sf);
	[tilespmem:$0x3990] =	vst v62  }
0xad: {  	s28 =	smul.f32 $1.250000000e-01, s26;
	s2 =	sadd.f32 s25, s3;
	[tilespmem:$0x39A0] =	vst v62  }
0xae: {  	[tilespmem:$0x39B0] =	vst v62  }
0xaf: {  	[tilespmem:$0x39C0] =	vst v62;
	s2 =	sadd.f32 s28, s2  }
0xb0: {  	[tilespmem:$0x39D0] =	vst v62  }
0xb1: {  	[tilespmem:$0x39E0] =	vst v62;
	s2 =	smax.f32 s2, $0.0e+00  }
0xb2: {  	[tilespmem:$0x39F0] =	vst v62;
	v63 =	vmov s2  }
0xb3: {  	[tilespmem:$0x3A00] =	vst v63  }
0xb4: {  	[tilespmem:$0x3A10] =	vst v63  }
0xb5: {  	[tilespmem:$0x3A20] =	vst v63  }
0xb6: {  	[tilespmem:$0x3A30] =	vst v63  }
0xb7: {  	[tilespmem:$0x3A40] =	vst v63  }
0xb8: {  	[tilespmem:$0x3A50] =	vst v63  }
0xb9: {  	[tilespmem:$0x3A60] =	vst v63  }
0xba: {  	s30 =	simm.s32 $0x3980;
	s31 =	simm.s32 $0x2;
	s29 =	simm.s32 $0x0;
	[tilespmem:$0x3A70] =	vst v63  }
0xbb: {  	[hbm4b:s1+s29] =	stream.linear.scatter [tilespmem:s30], [sflag:$0x2], $0x100, $0x38;
	[tilespmem:$0x3A80] =	vst v63  }
0xbc: {  	_ =	swait.ge [sflag:s31], $0x100  }
0xbd: {  	[sflag:s31] =	ssyncset.done $0x0  }
0xbe: {  	[sflag:s31] =	ssyncadd.s32 $0xFFFFFF00  }
0xbf: {  	_ =	sfence.sel $0x180000  }
0xc0: {  	[bflag:$0x0] =	sbarrier.arrive $0xFFFF  }
0xc1: {  	_ =	strace $0x90000047  }
0xc2: {  	s0 =	sadd.s32 $0x100000, s0;
	[bflag:$0x2] =	sbarrier.arrive $0xFFFF  }
0xc3: {  	[sflag:s0] =	ssyncadd.tile.s32 $0x1;
	_ =	shalt  }
.Lfunc_end2:
_tile_overlayer_lowered:
.L_overlay_start_2:
0xc4: {  	(tag) =	ssettag $0x2  }
0xc5: {  	s0 =	rddreg [dreg:$0x0];
	s2 =	stileid.u32  }
0xc6: {  	s1 =	rddreg [dreg:$0x1];
	p0 =	sne.s32 s2, $0x0  }
0xc7: {  	s3 =	rddreg [dreg:$0x2];
	[bflag:$0x3] =	sbarrier.arrive $0xFFFF;
	s2 =	simm.s32 @!p0 $0x1C02  }
0xc8: {  	[timem:s3], [sflag:s2] =	dma.local @!p0 [hbm:s0], s1  }
0xc9: {  	s0 =	simm.s32 @!p0 $0x2  }
0xca: {  	_ =	swait.ge @!p0 [sflag:s0], s1  }
0xcb: {  	s1 =	ssub.s32 @!p0 $0x0, s1;
	[sflag:s0] =	ssyncset.done @!p0 $0x0  }
0xcc: {  	[sflag:s0] =	ssyncadd.s32 @!p0 s1  }
0xcd: {  	[bflag:$0x3] =	sbarrier.arrive $0xFFFF  }
0xce: {  	_ =	shalt  }

</sc_bundles>
